<compile_context>
chip_gen: v7x
topology: tpu7x:2x2x1
jax: 0.10.2.dev20260603
libtpu: 0.0.44.dev20260713+nightly
codegen_flags: <defaults>
</compile_context>

<pallas_src>
import functools

import jax
import jax.numpy as jnp
from jax import lax
from jax.experimental import pallas as pl
from jax.experimental.pallas import tpu as pltpu
from jax.experimental.pallas import tpu_sc as plsc

_B, _N, _D, _K = 8, 576, 64, 1024
_ROWS = _B * _N
_RB = _N
_BB = 2
_G = _B // _BB


def _tc_body(zt_ref, cb_ref, csq_ref, idx_ref, loss_ref, pad_ref):
    i = pl.program_id(0)
    cbv = cb_ref[...]
    c_sq = csq_ref[...]
    part = None
    for bb in range(_BB):
        zbT = zt_ref[bb]
        dotT = lax.dot_general(cbv, zbT, (((1,), (0,)), ((), ())),
                               preferred_element_type=jnp.float32)
        z_sq = jnp.sum(zbT * zbT, axis=0, keepdims=True)
        d2 = (z_sq - 2.0 * dotT) + c_sq
        dist = jnp.sqrt(jnp.maximum(d2, 0.0))
        mval = jnp.min(dist, axis=0, keepdims=True)
        iota = lax.broadcasted_iota(jnp.int32, (_K, _RB), 0)
        idxc = jnp.min(jnp.where(dist == mval, iota, _K), axis=0,
                       keepdims=True)
        idx_ref[bb] = idxc
        p = jnp.sum(mval * mval)
        part = p if part is None else part + p

    @pl.when(i == 0)
    def _init():
        loss_ref[0, 0] = 0.0
        pad_ref[:, pl.ds(0, _D)] = cbv
        pad_ref[:, pl.ds(_D, 128 - _D)] = jnp.zeros((_K, 128 - _D),
                                                    jnp.float32)

    loss_ref[0, 0] = loss_ref[0, 0] + part

    @pl.when(i == _G - 1)
    def _fin():
        loss_ref[0, 0] = loss_ref[0, 0] * (1.0 / (_ROWS * _D))


def _tc_call(zt, cb, csq):
    return pl.pallas_call(
        _tc_body,
        grid=(_G,),
        in_specs=[
            pl.BlockSpec((_BB, _D, _RB), lambda i: (i, 0, 0)),
            pl.BlockSpec((_K, _D), lambda i: (0, 0)),
            pl.BlockSpec((_K, 1), lambda i: (0, 0)),
        ],
        out_specs=[
            pl.BlockSpec((_BB, 1, _RB), lambda i: (i, 0, 0)),
            pl.BlockSpec(memory_space=pltpu.SMEM),
            pl.BlockSpec((_K, 128), lambda i: (0, 0)),
        ],
        out_shape=[
            jax.ShapeDtypeStruct((_B, 1, _RB), jnp.int32),
            jax.ShapeDtypeStruct((1, 1), jnp.float32),
            jax.ShapeDtypeStruct((_K, 128), jnp.float32),
        ],
    )(zt, cb, csq)


@functools.cache
def _sc_gather_kernel():
    info = plsc.get_sparse_core_info()
    nc, ns = info.num_cores, info.num_subcores
    nw = nc * ns
    bpw = _ROWS // nw
    ch = 72
    nch = bpw // ch

    @functools.partial(
        pl.kernel,
        out_type=jax.ShapeDtypeStruct((_ROWS, 128), jnp.float32),
        mesh=plsc.VectorSubcoreMesh(core_axis_name="c", subcore_axis_name="s"),
        scratch_types=[
            pltpu.VMEM((nch, ch), jnp.int32),
            pltpu.VMEM((nch, ch, 128), jnp.float32),
            pltpu.SemaphoreType.DMA,
        ],
    )
    def _sc_gather(cb_hbm, idx_hbm, out_hbm, idx_v, rows_v, sem):
        wid = lax.axis_index("s") * nc + lax.axis_index("c")
        base = wid * bpw
        for j in range(nch):
            pltpu.sync_copy(idx_hbm.at[pl.ds(base + j * ch, ch)], idx_v.at[j])
        cps = [pltpu.async_copy(cb_hbm.at[idx_v.at[j]], rows_v.at[j], sem)
               for j in range(nch)]
        for cp in cps:
            cp.wait()
        for j in range(nch):
            pltpu.sync_copy(rows_v.at[j], out_hbm.at[pl.ds(base + j * ch, ch)])

    return _sc_gather


def kernel(z, codebook):
    zt = jnp.swapaxes(z, 1, 2)
    csq = jnp.sum(codebook ** 2, axis=-1, keepdims=True)
    idx3, loss2, cb_pad = _tc_call(zt, codebook, csq)
    idxf = idx3.reshape(_ROWS)
    zq = _sc_gather_kernel()(cb_pad, idxf)
    z_q = zq[:, :_D].reshape(_B, _N, _D)
    out = z + (z_q - z)
    return (out, loss2.reshape(()))

# --- scband reference (transcript-rebuilt; emitter-appended) ---
"""Pipeline reference for scband-vqvae-84404697301209 (READ-ONLY COPY).

The authoritative reference and input builder live on the scoring server;
editing this copy changes nothing except your own understanding.
"""

import jax, jax.numpy as jnp
import numpy as np

B, N, D, K = 8, 576, 64, 1024

def setup_inputs(seed: int = 0) -> dict:
    key = jax.random.key(seed)
    k1, k2 = jax.random.split(key)
    z = jax.random.normal(k1, (B, N, D), dtype=jnp.float32)
    codebook = jax.random.uniform(k2, (K, D), dtype=jnp.float32, minval=-1.0 / K, maxval=1.0 / K)
    return {"z": z, "codebook": codebook}


def reference(z, codebook):
    # torch.cdist(z, codebook.unsqueeze(0), p=2) via the expanded quadratic form
    z_sq = jnp.sum(z ** 2, axis=-1, keepdims=True)              # [B, N, 1]
    c_sq = jnp.sum(codebook ** 2, axis=-1)                       # [K]
    d2 = z_sq - 2.0 * jnp.einsum('bnd,kd->bnk', z, codebook) + c_sq[None, None, :]
    distances = jnp.sqrt(jnp.maximum(d2, 0.0))                   # [B, N, K]
    min_distances = jnp.min(distances, axis=-1)
    indices = jnp.argmin(distances, axis=-1)                     # [B, N]
    # one-hot encodings used for the usage_count buffer update (side effect in torch)
    encodings = jnp.zeros((indices.shape[0], codebook.shape[0]), dtype=jnp.float32)
    encodings = encodings.at[jnp.arange(indices.shape[0])[:, None], indices].set(1.0)
    usage_increment = jnp.sum(encodings, axis=0)                 # buffer update, not returned
    z_q = jnp.take(codebook, indices, axis=0)                    # [B, N, D]
    commitment_loss = jnp.mean((jax.lax.stop_gradient(z_q) - z) ** 2)
    codebook_loss = jnp.mean((z_q - jax.lax.stop_gradient(z)) ** 2)
    # use_ema=True -> loss = commitment_loss
    loss = commitment_loss
    # straight-through estimator
    z_q_st = z + jax.lax.stop_gradient(z_q - z)
    # EncoderViT/DecoderViT are undefined in the source module; decoder modeled as identity,
    # so the forward input is the latent z and out = quantized latent.
    out = z_q_st
    return (out, loss)

if __name__ == "__main__":
    import jax
    _d = setup_inputs()
    print(jax.jit(kernel)(*tuple(_d.values())))

</pallas_src>

<mosaic_0001>
#map = affine_map<(d0, d1) -> (0, 0)>
#map1 = affine_map<(d0, d1) -> (0)>
module attributes {stable_mosaic.version = 14 : i64} {
  func.func @_sc_gather(%arg0: i32, %arg1: i32, %arg2: memref<1024x128xf32, #tpu.memory_space<hbm>>, %arg3: memref<4608xi32, #tpu.memory_space<hbm>>, %arg4: memref<4608x128xf32, #tpu.memory_space<hbm>>, %arg5: memref<2x72xi32, #tpu.memory_space<vmem>>, %arg6: memref<2x72x128xf32, #tpu.memory_space<vmem>>, %arg7: memref<!tpu.dma_semaphore, #tpu.memory_space<semaphore_mem>>) attributes {dimension_semantics = [#tpu.dimension_semantics<core_parallel>, #tpu.dimension_semantics<subcore_parallel>], iteration_bounds = array<i64: 2, 16>, scalar_prefetch = 0 : i64, scratch_operands = 3 : i64, tpu.core_type = #tpu.core_type<sc_vector_subcore>, window_params = [{transform_indices = #map}, {transform_indices = #map1}, {transform_indices = #map}]} {
    %mul3A = arith.constant 2 : i32
    %mul3A_0 = arith.muli %arg1, %mul3A : i32
    %add3A = arith.addi %mul3A_0, %arg0 : i32
    %mul3A_1 = arith.constant 144 : i32
    %mul3A_2 = arith.muli %add3A, %mul3A_1 : i32
    %add3A_3 = arith.constant 0 : i32
    %add3A_4 = arith.addi %mul3A_2, %add3A_3 : i32
    %run_scoped3A = arith.constant 0 : i32
    "tpu.region"() ({
      %run_scoped3A_60 = tpu.sem_alloc : memref<!tpu.dma_semaphore, #tpu.memory_space<semaphore_mem>>
      %dma_start3A_61 = arith.constant 0 : i32
      %dma_start3A_62 = tpu.memref_slice %arg5[%run_scoped3A, %dma_start3A_61] : memref<2x72xi32, #tpu.memory_space<vmem>> -> memref<1x72xi32, #tpu.memory_space<vmem>>
      %dma_start3A_63 = tpu.memref_squeeze %dma_start3A_62 : memref<1x72xi32, #tpu.memory_space<vmem>> -> memref<72xi32, #tpu.memory_space<vmem>>
      %dma_start3A_64 = tpu.memref_slice %arg3[%add3A_4] : memref<4608xi32, #tpu.memory_space<hbm>> -> memref<72xi32, #tpu.memory_space<hbm>>
      %dma_start3A_65 = arith.constant 0 : i32
      %dma_start3A_66 = tpu.memref_slice %arg5[%run_scoped3A, %dma_start3A_65] : memref<2x72xi32, #tpu.memory_space<vmem>> -> memref<1x72xi32, #tpu.memory_space<vmem>>
      %dma_start3A_67 = tpu.memref_squeeze %dma_start3A_66 : memref<1x72xi32, #tpu.memory_space<vmem>> -> memref<72xi32, #tpu.memory_space<vmem>>
      %dma_start3A_68 = tpu.memref_slice %arg3[%add3A_4] : memref<4608xi32, #tpu.memory_space<hbm>> -> memref<72xi32, #tpu.memory_space<hbm>>
      tpu.enqueue_dma source(%dma_start3A_68 : memref<72xi32, #tpu.memory_space<hbm>>) target(%dma_start3A_67 : memref<72xi32, #tpu.memory_space<vmem>>) target_semaphore(%run_scoped3A_60 : memref<!tpu.dma_semaphore, #tpu.memory_space<semaphore_mem>>)
      %dma_wait3A_69 = arith.constant 0 : i32
      %dma_wait3A_70 = tpu.memref_slice %arg5[%run_scoped3A, %dma_wait3A_69] : memref<2x72xi32, #tpu.memory_space<vmem>> -> memref<1x72xi32, #tpu.memory_space<vmem>>
      %dma_wait3A_71 = tpu.memref_squeeze %dma_wait3A_70 : memref<1x72xi32, #tpu.memory_space<vmem>> -> memref<72xi32, #tpu.memory_space<vmem>>
      %dma_wait3A_72 = tpu.memref_slice %arg3[%add3A_4] : memref<4608xi32, #tpu.memory_space<hbm>> -> memref<72xi32, #tpu.memory_space<hbm>>
      %dma_wait3A_73 = arith.constant 0 : i32
      %dma_wait3A_74 = tpu.memref_slice %arg5[%run_scoped3A, %dma_wait3A_73] : memref<2x72xi32, #tpu.memory_space<vmem>> -> memref<1x72xi32, #tpu.memory_space<vmem>>
      %dma_wait3A_75 = tpu.memref_squeeze %dma_wait3A_74 : memref<1x72xi32, #tpu.memory_space<vmem>> -> memref<72xi32, #tpu.memory_space<vmem>>
      %dma_wait3A_76 = tpu.memref_slice %arg3[%add3A_4] : memref<4608xi32, #tpu.memory_space<hbm>> -> memref<72xi32, #tpu.memory_space<hbm>>
      tpu.wait_dma2 semaphore(%run_scoped3A_60 : memref<!tpu.dma_semaphore, #tpu.memory_space<semaphore_mem>>) src(%dma_wait3A_76 : memref<72xi32, #tpu.memory_space<hbm>>) dst(%dma_wait3A_75 : memref<72xi32, #tpu.memory_space<vmem>>)
      tpu.yield
    }) : () -> ()
    %add3A_5 = arith.constant 72 : i32
    %add3A_6 = arith.addi %mul3A_2, %add3A_5 : i32
    %run_scoped3A_7 = arith.constant 1 : i32
    "tpu.region"() ({
      %run_scoped3A_60 = tpu.sem_alloc : memref<!tpu.dma_semaphore, #tpu.memory_space<semaphore_mem>>
      %dma_start3A_61 = arith.constant 0 : i32
      %dma_start3A_62 = tpu.memref_slice %arg5[%run_scoped3A_7, %dma_start3A_61] : memref<2x72xi32, #tpu.memory_space<vmem>> -> memref<1x72xi32, #tpu.memory_space<vmem>>
      %dma_start3A_63 = tpu.memref_squeeze %dma_start3A_62 : memref<1x72xi32, #tpu.memory_space<vmem>> -> memref<72xi32, #tpu.memory_space<vmem>>
      %dma_start3A_64 = tpu.memref_slice %arg3[%add3A_6] : memref<4608xi32, #tpu.memory_space<hbm>> -> memref<72xi32, #tpu.memory_space<hbm>>
      %dma_start3A_65 = arith.constant 0 : i32
      %dma_start3A_66 = tpu.memref_slice %arg5[%run_scoped3A_7, %dma_start3A_65] : memref<2x72xi32, #tpu.memory_space<vmem>> -> memref<1x72xi32, #tpu.memory_space<vmem>>
      %dma_start3A_67 = tpu.memref_squeeze %dma_start3A_66 : memref<1x72xi32, #tpu.memory_space<vmem>> -> memref<72xi32, #tpu.memory_space<vmem>>
      %dma_start3A_68 = tpu.memref_slice %arg3[%add3A_6] : memref<4608xi32, #tpu.memory_space<hbm>> -> memref<72xi32, #tpu.memory_space<hbm>>
      tpu.enqueue_dma source(%dma_start3A_68 : memref<72xi32, #tpu.memory_space<hbm>>) target(%dma_start3A_67 : memref<72xi32, #tpu.memory_space<vmem>>) target_semaphore(%run_scoped3A_60 : memref<!tpu.dma_semaphore, #tpu.memory_space<semaphore_mem>>)
      %dma_wait3A_69 = arith.constant 0 : i32
      %dma_wait3A_70 = tpu.memref_slice %arg5[%run_scoped3A_7, %dma_wait3A_69] : memref<2x72xi32, #tpu.memory_space<vmem>> -> memref<1x72xi32, #tpu.memory_space<vmem>>
      %dma_wait3A_71 = tpu.memref_squeeze %dma_wait3A_70 : memref<1x72xi32, #tpu.memory_space<vmem>> -> memref<72xi32, #tpu.memory_space<vmem>>
      %dma_wait3A_72 = tpu.memref_slice %arg3[%add3A_6] : memref<4608xi32, #tpu.memory_space<hbm>> -> memref<72xi32, #tpu.memory_space<hbm>>
      %dma_wait3A_73 = arith.constant 0 : i32
      %dma_wait3A_74 = tpu.memref_slice %arg5[%run_scoped3A_7, %dma_wait3A_73] : memref<2x72xi32, #tpu.memory_space<vmem>> -> memref<1x72xi32, #tpu.memory_space<vmem>>
      %dma_wait3A_75 = tpu.memref_squeeze %dma_wait3A_74 : memref<1x72xi32, #tpu.memory_space<vmem>> -> memref<72xi32, #tpu.memory_space<vmem>>
      %dma_wait3A_76 = tpu.memref_slice %arg3[%add3A_6] : memref<4608xi32, #tpu.memory_space<hbm>> -> memref<72xi32, #tpu.memory_space<hbm>>
      tpu.wait_dma2 semaphore(%run_scoped3A_60 : memref<!tpu.dma_semaphore, #tpu.memory_space<semaphore_mem>>) src(%dma_wait3A_76 : memref<72xi32, #tpu.memory_space<hbm>>) dst(%dma_wait3A_75 : memref<72xi32, #tpu.memory_space<vmem>>)
      tpu.yield
    }) : () -> ()
    %dma_start3A = arith.constant 0 : i32
    %dma_start3A_8 = arith.constant 0 : i32
    %dma_start3A_9 = arith.constant 0 : i32
    %dma_start3A_10 = arith.constant 0 : i32
    %dma_start3A_11 = tpu.memref_slice %arg6[%dma_start3A_8, %dma_start3A_9, %dma_start3A_10] : memref<2x72x128xf32, #tpu.memory_space<vmem>> -> memref<1x72x128xf32, #tpu.memory_space<vmem>>
    %dma_start3A_12 = tpu.memref_squeeze %dma_start3A_11 : memref<1x72x128xf32, #tpu.memory_space<vmem>> -> memref<72x128xf32, #tpu.memory_space<vmem>>
    %dma_start3A_13 = arith.constant 0 : i32
    %dma_start3A_14 = tpu.memref_slice %arg5[%dma_start3A, %dma_start3A_13] : memref<2x72xi32, #tpu.memory_space<vmem>> -> memref<1x72xi32, #tpu.memory_space<vmem>>
    %dma_start3A_15 = tpu.memref_squeeze %dma_start3A_14 : memref<1x72xi32, #tpu.memory_space<vmem>> -> memref<72xi32, #tpu.memory_space<vmem>>
    %dma_start3A_16 = arith.constant 0 : i32
    %dma_start3A_17 = arith.constant 0 : i32
    %dma_start3A_18 = tpu.memref_slice %arg2[%dma_start3A_16, %dma_start3A_17] : memref<1024x128xf32, #tpu.memory_space<hbm>> -> memref<1024x128xf32, #tpu.memory_space<hbm>>
    tpu.enqueue_indirect_dma source(%dma_start3A_18 : memref<1024x128xf32, #tpu.memory_space<hbm>>) target(%dma_start3A_12 : memref<72x128xf32, #tpu.memory_space<vmem>>) offsets(%dma_start3A_15 : memref<72xi32, #tpu.memory_space<vmem>>) semaphore(%arg7 : memref<!tpu.dma_semaphore, #tpu.memory_space<semaphore_mem>>)
    %dma_start3A_19 = arith.constant 1 : i32
    %dma_start3A_20 = arith.constant 1 : i32
    %dma_start3A_21 = arith.constant 0 : i32
    %dma_start3A_22 = arith.constant 0 : i32
    %dma_start3A_23 = tpu.memref_slice %arg6[%dma_start3A_20, %dma_start3A_21, %dma_start3A_22] : memref<2x72x128xf32, #tpu.memory_space<vmem>> -> memref<1x72x128xf32, #tpu.memory_space<vmem>>
    %dma_start3A_24 = tpu.memref_squeeze %dma_start3A_23 : memref<1x72x128xf32, #tpu.memory_space<vmem>> -> memref<72x128xf32, #tpu.memory_space<vmem>>
    %dma_start3A_25 = arith.constant 0 : i32
    %dma_start3A_26 = tpu.memref_slice %arg5[%dma_start3A_19, %dma_start3A_25] : memref<2x72xi32, #tpu.memory_space<vmem>> -> memref<1x72xi32, #tpu.memory_space<vmem>>
    %dma_start3A_27 = tpu.memref_squeeze %dma_start3A_26 : memref<1x72xi32, #tpu.memory_space<vmem>> -> memref<72xi32, #tpu.memory_space<vmem>>
    %dma_start3A_28 = arith.constant 0 : i32
    %dma_start3A_29 = arith.constant 0 : i32
    %dma_start3A_30 = tpu.memref_slice %arg2[%dma_start3A_28, %dma_start3A_29] : memref<1024x128xf32, #tpu.memory_space<hbm>> -> memref<1024x128xf32, #tpu.memory_space<hbm>>
    tpu.enqueue_indirect_dma source(%dma_start3A_30 : memref<1024x128xf32, #tpu.memory_space<hbm>>) target(%dma_start3A_24 : memref<72x128xf32, #tpu.memory_space<vmem>>) offsets(%dma_start3A_27 : memref<72xi32, #tpu.memory_space<vmem>>) semaphore(%arg7 : memref<!tpu.dma_semaphore, #tpu.memory_space<semaphore_mem>>)
    %dma_wait3A = arith.constant 0 : i32
    %dma_wait3A_31 = arith.constant 0 : i32
    %dma_wait3A_32 = arith.constant 0 : i32
    %dma_wait3A_33 = arith.constant 0 : i32
    %dma_wait3A_34 = tpu.memref_slice %arg6[%dma_wait3A_31, %dma_wait3A_32, %dma_wait3A_33] : memref<2x72x128xf32, #tpu.memory_space<vmem>> -> memref<1x72x128xf32, #tpu.memory_space<vmem>>
    %dma_wait3A_35 = tpu.memref_squeeze %dma_wait3A_34 : memref<1x72x128xf32, #tpu.memory_space<vmem>> -> memref<72x128xf32, #tpu.memory_space<vmem>>
    %dma_wait3A_36 = arith.constant 0 : i32
    %dma_wait3A_37 = tpu.memref_slice %arg5[%dma_wait3A, %dma_wait3A_36] : memref<2x72xi32, #tpu.memory_space<vmem>> -> memref<1x72xi32, #tpu.memory_space<vmem>>
    %dma_wait3A_38 = tpu.memref_squeeze %dma_wait3A_37 : memref<1x72xi32, #tpu.memory_space<vmem>> -> memref<72xi32, #tpu.memory_space<vmem>>
    %dma_wait3A_39 = arith.constant 0 : i32
    %dma_wait3A_40 = arith.constant 0 : i32
    %dma_wait3A_41 = tpu.memref_slice %arg2[%dma_wait3A_39, %dma_wait3A_40] : memref<1024x128xf32, #tpu.memory_space<hbm>> -> memref<1024x128xf32, #tpu.memory_space<hbm>>
    tpu.wait_indirect_dma semaphore(%arg7 : memref<!tpu.dma_semaphore, #tpu.memory_space<semaphore_mem>>) src(%dma_wait3A_41 : memref<1024x128xf32, #tpu.memory_space<hbm>>) dst(%dma_wait3A_35 : memref<72x128xf32, #tpu.memory_space<vmem>>)
    %dma_wait3A_42 = arith.constant 1 : i32
    %dma_wait3A_43 = arith.constant 1 : i32
    %dma_wait3A_44 = arith.constant 0 : i32
    %dma_wait3A_45 = arith.constant 0 : i32
    %dma_wait3A_46 = tpu.memref_slice %arg6[%dma_wait3A_43, %dma_wait3A_44, %dma_wait3A_45] : memref<2x72x128xf32, #tpu.memory_space<vmem>> -> memref<1x72x128xf32, #tpu.memory_space<vmem>>
    %dma_wait3A_47 = tpu.memref_squeeze %dma_wait3A_46 : memref<1x72x128xf32, #tpu.memory_space<vmem>> -> memref<72x128xf32, #tpu.memory_space<vmem>>
    %dma_wait3A_48 = arith.constant 0 : i32
    %dma_wait3A_49 = tpu.memref_slice %arg5[%dma_wait3A_42, %dma_wait3A_48] : memref<2x72xi32, #tpu.memory_space<vmem>> -> memref<1x72xi32, #tpu.memory_space<vmem>>
    %dma_wait3A_50 = tpu.memref_squeeze %dma_wait3A_49 : memref<1x72xi32, #tpu.memory_space<vmem>> -> memref<72xi32, #tpu.memory_space<vmem>>
    %dma_wait3A_51 = arith.constant 0 : i32
    %dma_wait3A_52 = arith.constant 0 : i32
    %dma_wait3A_53 = tpu.memref_slice %arg2[%dma_wait3A_51, %dma_wait3A_52] : memref<1024x128xf32, #tpu.memory_space<hbm>> -> memref<1024x128xf32, #tpu.memory_space<hbm>>
    tpu.wait_indirect_dma semaphore(%arg7 : memref<!tpu.dma_semaphore, #tpu.memory_space<semaphore_mem>>) src(%dma_wait3A_53 : memref<1024x128xf32, #tpu.memory_space<hbm>>) dst(%dma_wait3A_47 : memref<72x128xf32, #tpu.memory_space<vmem>>)
    %add3A_54 = arith.constant 0 : i32
    %add3A_55 = arith.addi %mul3A_2, %add3A_54 : i32
    %run_scoped3A_56 = arith.constant 0 : i32
    "tpu.region"() ({
      %run_scoped3A_60 = tpu.sem_alloc : memref<!tpu.dma_semaphore, #tpu.memory_space<semaphore_mem>>
      %dma_start3A_61 = arith.constant 0 : i32
      %dma_start3A_62 = arith.constant 0 : i32
      %dma_start3A_63 = tpu.memref_slice %arg6[%run_scoped3A_56, %dma_start3A_61, %dma_start3A_62] : memref<2x72x128xf32, #tpu.memory_space<vmem>> -> memref<1x72x128xf32, #tpu.memory_space<vmem>>
      %dma_start3A_64 = tpu.memref_squeeze %dma_start3A_63 : memref<1x72x128xf32, #tpu.memory_space<vmem>> -> memref<72x128xf32, #tpu.memory_space<vmem>>
      %dma_start3A_65 = arith.constant 0 : i32
      %dma_start3A_66 = tpu.memref_slice %arg4[%add3A_55, %dma_start3A_65] : memref<4608x128xf32, #tpu.memory_space<hbm>> -> memref<72x128xf32, #tpu.memory_space<hbm>>
      %dma_start3A_67 = arith.constant 0 : i32
      %dma_start3A_68 = tpu.memref_slice %arg4[%add3A_55, %dma_start3A_67] : memref<4608x128xf32, #tpu.memory_space<hbm>> -> memref<72x128xf32, #tpu.memory_space<hbm>>
      %dma_start3A_69 = arith.constant 0 : i32
      %dma_start3A_70 = arith.constant 0 : i32
      %dma_start3A_71 = tpu.memref_slice %arg6[%run_scoped3A_56, %dma_start3A_69, %dma_start3A_70] : memref<2x72x128xf32, #tpu.memory_space<vmem>> -> memref<1x72x128xf32, #tpu.memory_space<vmem>>
      %dma_start3A_72 = tpu.memref_squeeze %dma_start3A_71 : memref<1x72x128xf32, #tpu.memory_space<vmem>> -> memref<72x128xf32, #tpu.memory_space<vmem>>
      tpu.enqueue_dma source(%dma_start3A_72 : memref<72x128xf32, #tpu.memory_space<vmem>>) target(%dma_start3A_68 : memref<72x128xf32, #tpu.memory_space<hbm>>) target_semaphore(%run_scoped3A_60 : memref<!tpu.dma_semaphore, #tpu.memory_space<semaphore_mem>>)
      %dma_wait3A_73 = arith.constant 0 : i32
      %dma_wait3A_74 = arith.constant 0 : i32
      %dma_wait3A_75 = tpu.memref_slice %arg6[%run_scoped3A_56, %dma_wait3A_73, %dma_wait3A_74] : memref<2x72x128xf32, #tpu.memory_space<vmem>> -> memref<1x72x128xf32, #tpu.memory_space<vmem>>
      %dma_wait3A_76 = tpu.memref_squeeze %dma_wait3A_75 : memref<1x72x128xf32, #tpu.memory_space<vmem>> -> memref<72x128xf32, #tpu.memory_space<vmem>>
      %dma_wait3A_77 = arith.constant 0 : i32
      %dma_wait3A_78 = tpu.memref_slice %arg4[%add3A_55, %dma_wait3A_77] : memref<4608x128xf32, #tpu.memory_space<hbm>> -> memref<72x128xf32, #tpu.memory_space<hbm>>
      %dma_wait3A_79 = arith.constant 0 : i32
      %dma_wait3A_80 = tpu.memref_slice %arg4[%add3A_55, %dma_wait3A_79] : memref<4608x128xf32, #tpu.memory_space<hbm>> -> memref<72x128xf32, #tpu.memory_space<hbm>>
      %dma_wait3A_81 = arith.constant 0 : i32
      %dma_wait3A_82 = arith.constant 0 : i32
      %dma_wait3A_83 = tpu.memref_slice %arg6[%run_scoped3A_56, %dma_wait3A_81, %dma_wait3A_82] : memref<2x72x128xf32, #tpu.memory_space<vmem>> -> memref<1x72x128xf32, #tpu.memory_space<vmem>>
      %dma_wait3A_84 = tpu.memref_squeeze %dma_wait3A_83 : memref<1x72x128xf32, #tpu.memory_space<vmem>> -> memref<72x128xf32, #tpu.memory_space<vmem>>
      tpu.wait_dma2 semaphore(%run_scoped3A_60 : memref<!tpu.dma_semaphore, #tpu.memory_space<semaphore_mem>>) src(%dma_wait3A_84 : memref<72x128xf32, #tpu.memory_space<vmem>>) dst(%dma_wait3A_80 : memref<72x128xf32, #tpu.memory_space<hbm>>)
      tpu.yield
    }) : () -> ()
    %add3A_57 = arith.constant 72 : i32
    %add3A_58 = arith.addi %mul3A_2, %add3A_57 : i32
    %run_scoped3A_59 = arith.constant 1 : i32
    "tpu.region"() ({
      %run_scoped3A_60 = tpu.sem_alloc : memref<!tpu.dma_semaphore, #tpu.memory_space<semaphore_mem>>
      %dma_start3A_61 = arith.constant 0 : i32
      %dma_start3A_62 = arith.constant 0 : i32
      %dma_start3A_63 = tpu.memref_slice %arg6[%run_scoped3A_59, %dma_start3A_61, %dma_start3A_62] : memref<2x72x128xf32, #tpu.memory_space<vmem>> -> memref<1x72x128xf32, #tpu.memory_space<vmem>>
      %dma_start3A_64 = tpu.memref_squeeze %dma_start3A_63 : memref<1x72x128xf32, #tpu.memory_space<vmem>> -> memref<72x128xf32, #tpu.memory_space<vmem>>
      %dma_start3A_65 = arith.constant 0 : i32
      %dma_start3A_66 = tpu.memref_slice %arg4[%add3A_58, %dma_start3A_65] : memref<4608x128xf32, #tpu.memory_space<hbm>> -> memref<72x128xf32, #tpu.memory_space<hbm>>
      %dma_start3A_67 = arith.constant 0 : i32
      %dma_start3A_68 = tpu.memref_slice %arg4[%add3A_58, %dma_start3A_67] : memref<4608x128xf32, #tpu.memory_space<hbm>> -> memref<72x128xf32, #tpu.memory_space<hbm>>
      %dma_start3A_69 = arith.constant 0 : i32
      %dma_start3A_70 = arith.constant 0 : i32
      %dma_start3A_71 = tpu.memref_slice %arg6[%run_scoped3A_59, %dma_start3A_69, %dma_start3A_70] : memref<2x72x128xf32, #tpu.memory_space<vmem>> -> memref<1x72x128xf32, #tpu.memory_space<vmem>>
      %dma_start3A_72 = tpu.memref_squeeze %dma_start3A_71 : memref<1x72x128xf32, #tpu.memory_space<vmem>> -> memref<72x128xf32, #tpu.memory_space<vmem>>
      tpu.enqueue_dma source(%dma_start3A_72 : memref<72x128xf32, #tpu.memory_space<vmem>>) target(%dma_start3A_68 : memref<72x128xf32, #tpu.memory_space<hbm>>) target_semaphore(%run_scoped3A_60 : memref<!tpu.dma_semaphore, #tpu.memory_space<semaphore_mem>>)
      %dma_wait3A_73 = arith.constant 0 : i32
      %dma_wait3A_74 = arith.constant 0 : i32
      %dma_wait3A_75 = tpu.memref_slice %arg6[%run_scoped3A_59, %dma_wait3A_73, %dma_wait3A_74] : memref<2x72x128xf32, #tpu.memory_space<vmem>> -> memref<1x72x128xf32, #tpu.memory_space<vmem>>
      %dma_wait3A_76 = tpu.memref_squeeze %dma_wait3A_75 : memref<1x72x128xf32, #tpu.memory_space<vmem>> -> memref<72x128xf32, #tpu.memory_space<vmem>>
      %dma_wait3A_77 = arith.constant 0 : i32
      %dma_wait3A_78 = tpu.memref_slice %arg4[%add3A_58, %dma_wait3A_77] : memref<4608x128xf32, #tpu.memory_space<hbm>> -> memref<72x128xf32, #tpu.memory_space<hbm>>
      %dma_wait3A_79 = arith.constant 0 : i32
      %dma_wait3A_80 = tpu.memref_slice %arg4[%add3A_58, %dma_wait3A_79] : memref<4608x128xf32, #tpu.memory_space<hbm>> -> memref<72x128xf32, #tpu.memory_space<hbm>>
      %dma_wait3A_81 = arith.constant 0 : i32
      %dma_wait3A_82 = arith.constant 0 : i32
      %dma_wait3A_83 = tpu.memref_slice %arg6[%run_scoped3A_59, %dma_wait3A_81, %dma_wait3A_82] : memref<2x72x128xf32, #tpu.memory_space<vmem>> -> memref<1x72x128xf32, #tpu.memory_space<vmem>>
      %dma_wait3A_84 = tpu.memref_squeeze %dma_wait3A_83 : memref<1x72x128xf32, #tpu.memory_space<vmem>> -> memref<72x128xf32, #tpu.memory_space<vmem>>
      tpu.wait_dma2 semaphore(%run_scoped3A_60 : memref<!tpu.dma_semaphore, #tpu.memory_space<semaphore_mem>>) src(%dma_wait3A_84 : memref<72x128xf32, #tpu.memory_space<vmem>>) dst(%dma_wait3A_80 : memref<72x128xf32, #tpu.memory_space<hbm>>)
      tpu.yield
    }) : () -> ()
    return
  }
}

module attributes {stable_mosaic.version = 14 : i64} {
  func.func @_tc_body(%arg0: i32, %arg1: memref<2x64x576xf32, #tpu.memory_space<vmem>>, %arg2: memref<1024x64xf32, #tpu.memory_space<vmem>>, %arg3: memref<1024x1xf32, #tpu.memory_space<vmem>>, %arg4: memref<2x1x576xi32, #tpu.memory_space<vmem>>, %arg5: memref<1x1xf32, #tpu.memory_space<smem>>, %arg6: memref<1024x128xf32, #tpu.memory_space<vmem>>) attributes {dimension_semantics = [#tpu.dimension_semantics<arbitrary>], iteration_bounds = array<i64: 4>, scalar_prefetch = 0 : i64, scratch_operands = 0 : i64, tpu.core_type = #tpu.core_type<tc>, window_params = [{transform_indices = @transform_0, window_bounds = array<i64: 2, 64, 576>}, {pipeline_mode = #tpu.pipeline_mode<synchronous>, transform_indices = @transform_1, window_bounds = array<i64: 1024, 64>}, {pipeline_mode = #tpu.pipeline_mode<synchronous>, transform_indices = @transform_2, window_bounds = array<i64: 1024, 1>}, {transform_indices = @transform_3, window_bounds = array<i64: 2, 1, 576>}, {transform_indices = @transform_4, window_bounds = array<i64: 1, 1>}, {pipeline_mode = #tpu.pipeline_mode<synchronous>, transform_indices = @transform_5, window_bounds = array<i64: 1024, 128>}]} {
    %get3A = arith.constant 0 : index
    %get3A_0 = arith.constant 0 : index
    %get3A_1 = vector.load %arg2[%get3A, %get3A_0] : memref<1024x64xf32, #tpu.memory_space<vmem>>, vector<1024x64xf32>
    %get3A_2 = arith.constant 0 : index
    %get3A_3 = arith.constant 0 : index
    %get3A_4 = vector.load %arg3[%get3A_2, %get3A_3] : memref<1024x1xf32, #tpu.memory_space<vmem>>, vector<1024x1xf32>
    %get3A_5 = arith.constant 0 : index
    %get3A_6 = arith.constant 0 : index
    %get3A_7 = arith.constant 0 : index
    %get3A_8 = vector.load %arg1[%get3A_5, %get3A_6, %get3A_7] : memref<2x64x576xf32, #tpu.memory_space<vmem>>, vector<1x64x576xf32>
    %get3A_9 = vector.shape_cast %get3A_8 : vector<1x64x576xf32> to vector<64x576xf32>
    %dot_general3A = arith.constant dense<0.000000e+00> : vector<1024x576xf32>
    %dot_general3A_10 = tpu.matmul %get3A_1, %get3A_9, %dot_general3A {dimension_numbers = #tpu.dot_dimension_numbers<[1], [0], [0], [1], [0, 0, 1, 1], [], []>, transpose_lhs_hint = false} : vector<1024x64xf32>, vector<64x576xf32>, vector<1024x576xf32> -> vector<1024x576xf32>
    %mul3A = arith.mulf %get3A_9, %get3A_9 : vector<64x576xf32>
    %reduce_sum3A = arith.constant dense<0.000000e+00> : vector<576xf32>
    %reduce_sum3A_11 = vector.multi_reduction <add>, %mul3A, %reduce_sum3A [0] : vector<64x576xf32> to vector<576xf32>
    %broadcast_in_dim3A = vector.shape_cast %reduce_sum3A_11 : vector<576xf32> to vector<1x576xf32>
    %mul3A_12 = arith.constant 2.000000e+00 : f32
    %mul3A_13 = vector.broadcast %mul3A_12 : f32 to vector<1024x576xf32>
    %mul3A_14 = arith.mulf %mul3A_13, %dot_general3A_10 : vector<1024x576xf32>
    %sub3A = vector.broadcast %broadcast_in_dim3A : vector<1x576xf32> to vector<1024x576xf32>
    %sub3A_15 = arith.subf %sub3A, %mul3A_14 : vector<1024x576xf32>
    %add3A = vector.broadcast %get3A_4 : vector<1024x1xf32> to vector<1024x576xf32>
    %add3A_16 = arith.addf %sub3A_15, %add3A : vector<1024x576xf32>
    %max3A = arith.constant 0.000000e+00 : f32
    %max3A_17 = vector.broadcast %max3A : f32 to vector<1024x576xf32>
    %max3A_18 = arith.maximumf %add3A_16, %max3A_17 : vector<1024x576xf32>
    %sqrt3A = math.sqrt %max3A_18 : vector<1024x576xf32>
    %reduce_min3A = arith.constant dense<0x7F800000> : vector<576xf32>
    %reduce_min3A_19 = vector.multi_reduction <minimumf>, %sqrt3A, %reduce_min3A [0] : vector<1024x576xf32> to vector<576xf32>
    %broadcast_in_dim3A_20 = vector.shape_cast %reduce_min3A_19 : vector<576xf32> to vector<1x576xf32>
    %iota3A = tpu.iota {dimensions = array<i32: 0>} : vector<1024x576xi32>
    %eq3A = vector.broadcast %broadcast_in_dim3A_20 : vector<1x576xf32> to vector<1024x576xf32>
    %eq3A_21 = arith.cmpf oeq, %sqrt3A, %eq3A : vector<1024x576xf32>
    %jit3A = arith.constant 1024 : i32
    %broadcast_in_dim3A_22 = vector.broadcast %jit3A : i32 to vector<1024x576xi32>
    %select_n3A = arith.select %eq3A_21, %iota3A, %broadcast_in_dim3A_22 : vector<1024x576xi1>, vector<1024x576xi32>
    %reduce_min3A_23 = arith.constant dense<2147483647> : vector<576xi32>
    %reduce_min3A_24 = vector.multi_reduction <minsi>, %select_n3A, %reduce_min3A_23 [0] : vector<1024x576xi32> to vector<576xi32>
    %broadcast_in_dim3A_25 = vector.shape_cast %reduce_min3A_24 : vector<576xi32> to vector<1x576xi32>
    %swap3A = arith.constant 0 : index
    %swap3A_26 = arith.constant 0 : index
    %swap3A_27 = arith.constant 0 : index
    %swap3A_28 = vector.load %arg4[%swap3A, %swap3A_26, %swap3A_27] : memref<2x1x576xi32, #tpu.memory_space<vmem>>, vector<1x1x576xi32>
    %swap3A_29 = vector.shape_cast %swap3A_28 : vector<1x1x576xi32> to vector<1x576xi32>
    %swap3A_30 = vector.shape_cast %broadcast_in_dim3A_25 : vector<1x576xi32> to vector<1x1x576xi32>
    tpu.vector_store %arg4[%swap3A, %swap3A_26, %swap3A_27], %swap3A_30 {strides = array<i32>} : memref<2x1x576xi32, #tpu.memory_space<vmem>>, vector<1x1x576xi32>,
    %mul3A_31 = arith.mulf %broadcast_in_dim3A_20, %broadcast_in_dim3A_20 : vector<1x576xf32>
    %reduce_sum3A_32 = vector.shape_cast %mul3A_31 : vector<1x576xf32> to vector<1x1x576xf32>
    %reduce_sum3A_33 = arith.constant dense<0.000000e+00> : vector<1xf32>
    %reduce_sum3A_34 = vector.multi_reduction <add>, %reduce_sum3A_32, %reduce_sum3A_33 [1, 2] : vector<1x1x576xf32> to vector<1xf32>
    %reduce_sum3A_35 = vector.shape_cast %reduce_sum3A_34 : vector<1xf32> to vector<1x1x1xf32>
    %reduce_sum3A_36 = vector.extract %reduce_sum3A_35[0, 0, 0] : f32 from vector<1x1x1xf32>
    %get3A_37 = arith.constant 1 : index
    %get3A_38 = arith.constant 0 : index
    %get3A_39 = arith.constant 0 : index
    %get3A_40 = vector.load %arg1[%get3A_37, %get3A_38, %get3A_39] : memref<2x64x576xf32, #tpu.memory_space<vmem>>, vector<1x64x576xf32>
    %get3A_41 = vector.shape_cast %get3A_40 : vector<1x64x576xf32> to vector<64x576xf32>
    %dot_general3A_42 = arith.constant dense<0.000000e+00> : vector<1024x576xf32>
    %dot_general3A_43 = tpu.matmul %get3A_1, %get3A_41, %dot_general3A_42 {dimension_numbers = #tpu.dot_dimension_numbers<[1], [0], [0], [1], [0, 0, 1, 1], [], []>, transpose_lhs_hint = false} : vector<1024x64xf32>, vector<64x576xf32>, vector<1024x576xf32> -> vector<1024x576xf32>
    %mul3A_44 = arith.mulf %get3A_41, %get3A_41 : vector<64x576xf32>
    %reduce_sum3A_45 = arith.constant dense<0.000000e+00> : vector<576xf32>
    %reduce_sum3A_46 = vector.multi_reduction <add>, %mul3A_44, %reduce_sum3A_45 [0] : vector<64x576xf32> to vector<576xf32>
    %broadcast_in_dim3A_47 = vector.shape_cast %reduce_sum3A_46 : vector<576xf32> to vector<1x576xf32>
    %mul3A_48 = arith.constant 2.000000e+00 : f32
    %mul3A_49 = vector.broadcast %mul3A_48 : f32 to vector<1024x576xf32>
    %mul3A_50 = arith.mulf %mul3A_49, %dot_general3A_43 : vector<1024x576xf32>
    %sub3A_51 = vector.broadcast %broadcast_in_dim3A_47 : vector<1x576xf32> to vector<1024x576xf32>
    %sub3A_52 = arith.subf %sub3A_51, %mul3A_50 : vector<1024x576xf32>
    %add3A_53 = vector.broadcast %get3A_4 : vector<1024x1xf32> to vector<1024x576xf32>
    %add3A_54 = arith.addf %sub3A_52, %add3A_53 : vector<1024x576xf32>
    %max3A_55 = arith.constant 0.000000e+00 : f32
    %max3A_56 = vector.broadcast %max3A_55 : f32 to vector<1024x576xf32>
    %max3A_57 = arith.maximumf %add3A_54, %max3A_56 : vector<1024x576xf32>
    %sqrt3A_58 = math.sqrt %max3A_57 : vector<1024x576xf32>
    %reduce_min3A_59 = arith.constant dense<0x7F800000> : vector<576xf32>
    %reduce_min3A_60 = vector.multi_reduction <minimumf>, %sqrt3A_58, %reduce_min3A_59 [0] : vector<1024x576xf32> to vector<576xf32>
    %broadcast_in_dim3A_61 = vector.shape_cast %reduce_min3A_60 : vector<576xf32> to vector<1x576xf32>
    %iota3A_62 = tpu.iota {dimensions = array<i32: 0>} : vector<1024x576xi32>
    %eq3A_63 = vector.broadcast %broadcast_in_dim3A_61 : vector<1x576xf32> to vector<1024x576xf32>
    %eq3A_64 = arith.cmpf oeq, %sqrt3A_58, %eq3A_63 : vector<1024x576xf32>
    %jit3A_65 = arith.constant 1024 : i32
    %broadcast_in_dim3A_66 = vector.broadcast %jit3A_65 : i32 to vector<1024x576xi32>
    %select_n3A_67 = arith.select %eq3A_64, %iota3A_62, %broadcast_in_dim3A_66 : vector<1024x576xi1>, vector<1024x576xi32>
    %reduce_min3A_68 = arith.constant dense<2147483647> : vector<576xi32>
    %reduce_min3A_69 = vector.multi_reduction <minsi>, %select_n3A_67, %reduce_min3A_68 [0] : vector<1024x576xi32> to vector<576xi32>
    %broadcast_in_dim3A_70 = vector.shape_cast %reduce_min3A_69 : vector<576xi32> to vector<1x576xi32>
    %swap3A_71 = arith.constant 1 : index
    %swap3A_72 = arith.constant 0 : index
    %swap3A_73 = arith.constant 0 : index
    %swap3A_74 = vector.load %arg4[%swap3A_71, %swap3A_72, %swap3A_73] : memref<2x1x576xi32, #tpu.memory_space<vmem>>, vector<1x1x576xi32>
    %swap3A_75 = vector.shape_cast %swap3A_74 : vector<1x1x576xi32> to vector<1x576xi32>
    %swap3A_76 = vector.shape_cast %broadcast_in_dim3A_70 : vector<1x576xi32> to vector<1x1x576xi32>
    tpu.vector_store %arg4[%swap3A_71, %swap3A_72, %swap3A_73], %swap3A_76 {strides = array<i32>} : memref<2x1x576xi32, #tpu.memory_space<vmem>>, vector<1x1x576xi32>,
    %mul3A_77 = arith.mulf %broadcast_in_dim3A_61, %broadcast_in_dim3A_61 : vector<1x576xf32>
    %reduce_sum3A_78 = vector.shape_cast %mul3A_77 : vector<1x576xf32> to vector<1x1x576xf32>
    %reduce_sum3A_79 = arith.constant dense<0.000000e+00> : vector<1xf32>
    %reduce_sum3A_80 = vector.multi_reduction <add>, %reduce_sum3A_78, %reduce_sum3A_79 [1, 2] : vector<1x1x576xf32> to vector<1xf32>
    %reduce_sum3A_81 = vector.shape_cast %reduce_sum3A_80 : vector<1xf32> to vector<1x1x1xf32>
    %reduce_sum3A_82 = vector.extract %reduce_sum3A_81[0, 0, 0] : f32 from vector<1x1x1xf32>
    %add3A_83 = arith.addf %reduce_sum3A_36, %reduce_sum3A_82 : f32
    %eq3A_84 = arith.constant 0 : i32
    %eq3A_85 = arith.cmpi eq, %arg0, %eq3A_84 : i32
    %convert_element_type3A = arith.extui %eq3A_85 : i1 to i32
    %cond3A = arith.constant 0 : i32
    %cond3A_86 = arith.cmpi ne, %convert_element_type3A, %cond3A : i32
    scf.if %cond3A_86 {
      %swap3A_99 = arith.constant 0.000000e+00 : f32
      %swap3A_100 = arith.constant 0 : index
      %swap3A_101 = arith.constant 0 : index
      %swap3A_102 = memref.load %arg5[%swap3A_100, %swap3A_101] : memref<1x1xf32, #tpu.memory_space<smem>>
      memref.store %swap3A_99, %arg5[%swap3A_100, %swap3A_101] : memref<1x1xf32, #tpu.memory_space<smem>>
      %swap3A_103 = arith.constant 0 : index
      %swap3A_104 = arith.constant 0 : index
      %swap3A_105 = vector.load %arg6[%swap3A_103, %swap3A_104] : memref<1024x128xf32, #tpu.memory_space<vmem>>, vector<1024x64xf32>
      tpu.vector_store %arg6[%swap3A_103, %swap3A_104], %get3A_1 {strides = array<i32>} : memref<1024x128xf32, #tpu.memory_space<vmem>>, vector<1024x64xf32>,
      %broadcast_in_dim3A_106 = arith.constant 0.000000e+00 : f32
      %broadcast_in_dim3A_107 = vector.broadcast %broadcast_in_dim3A_106 : f32 to vector<1024x64xf32>
      %swap3A_108 = arith.constant 0 : index
      %swap3A_109 = arith.constant 64 : index
      %swap3A_110 = vector.load %arg6[%swap3A_108, %swap3A_109] : memref<1024x128xf32, #tpu.memory_space<vmem>>, vector<1024x64xf32>
      tpu.vector_store %arg6[%swap3A_108, %swap3A_109], %broadcast_in_dim3A_107 {strides = array<i32>} : memref<1024x128xf32, #tpu.memory_space<vmem>>, vector<1024x64xf32>,
    } else {
    }
    %get3A_87 = arith.constant 0 : index
    %get3A_88 = arith.constant 0 : index
    %get3A_89 = memref.load %arg5[%get3A_87, %get3A_88] : memref<1x1xf32, #tpu.memory_space<smem>>
    %add3A_90 = arith.addf %get3A_89, %add3A_83 : f32
    %swap3A_91 = arith.constant 0 : index
    %swap3A_92 = arith.constant 0 : index
    %swap3A_93 = memref.load %arg5[%swap3A_91, %swap3A_92] : memref<1x1xf32, #tpu.memory_space<smem>>
    memref.store %add3A_90, %arg5[%swap3A_91, %swap3A_92] : memref<1x1xf32, #tpu.memory_space<smem>>
    %eq3A_94 = arith.constant 3 : i32
    %eq3A_95 = arith.cmpi eq, %arg0, %eq3A_94 : i32
    %convert_element_type3A_96 = arith.extui %eq3A_95 : i1 to i32
    %cond3A_97 = arith.constant 0 : i32
    %cond3A_98 = arith.cmpi ne, %convert_element_type3A_96, %cond3A_97 : i32
    scf.if %cond3A_98 {
      %get3A_99 = arith.constant 0 : index
      %get3A_100 = arith.constant 0 : index
      %get3A_101 = memref.load %arg5[%get3A_99, %get3A_100] : memref<1x1xf32, #tpu.memory_space<smem>>
      %mul3A_102 = arith.constant 3.39084204E-6 : f32
      %mul3A_103 = arith.mulf %get3A_101, %mul3A_102 : f32
      %swap3A_104 = arith.constant 0 : index
      %swap3A_105 = arith.constant 0 : index
      %swap3A_106 = memref.load %arg5[%swap3A_104, %swap3A_105] : memref<1x1xf32, #tpu.memory_space<smem>>
      memref.store %mul3A_103, %arg5[%swap3A_104, %swap3A_105] : memref<1x1xf32, #tpu.memory_space<smem>>
    } else {
    }
    return
  }
  func.func @transform_0(%arg0: i32) -> (i32, i32, i32) {
    %c0_i32 = arith.constant 0 : i32
    %c0_i32_0 = arith.constant 0 : i32
    %c0_i32_1 = arith.constant 0 : i32
    return %arg0, %c0_i32, %c0_i32_0 : i32, i32, i32
  }
  func.func @transform_1(%arg0: i32) -> (i32, i32) {
    %c0_i32 = arith.constant 0 : i32
    %c0_i32_0 = arith.constant 0 : i32
    %c0_i32_1 = arith.constant 0 : i32
    return %c0_i32, %c0_i32_0 : i32, i32
  }
  func.func @transform_2(%arg0: i32) -> (i32, i32) {
    %c0_i32 = arith.constant 0 : i32
    %c0_i32_0 = arith.constant 0 : i32
    %c0_i32_1 = arith.constant 0 : i32
    return %c0_i32, %c0_i32_0 : i32, i32
  }
  func.func @transform_3(%arg0: i32) -> (i32, i32, i32) {
    %c0_i32 = arith.constant 0 : i32
    %c0_i32_0 = arith.constant 0 : i32
    %c0_i32_1 = arith.constant 0 : i32
    return %arg0, %c0_i32, %c0_i32_0 : i32, i32, i32
  }
  func.func @transform_4(%arg0: i32) -> (i32, i32) {
    %c0_i32 = arith.constant 0 : i32
    %c0_i32_0 = arith.constant 0 : i32
    %c0_i32_1 = arith.constant 0 : i32
    return %c0_i32, %c0_i32_0 : i32, i32
  }
  func.func @transform_5(%arg0: i32) -> (i32, i32) {
    %c0_i32 = arith.constant 0 : i32
    %c0_i32_0 = arith.constant 0 : i32
    %c0_i32_1 = arith.constant 0 : i32
    return %c0_i32, %c0_i32_0 : i32, i32
  }
}

</mosaic_0001>

<sc_bundles>
// kernel: kernel.4.cloned.1.call-start
scs
__scs_entry_jumppad:
0x0: {  	(pc) =	sbr.rel $0x88, $3  }
0x1: {  	(tag) =	ssettag $0x0;
	lr =	simm.s32 $0x1  }
0x2: {  	[smem:$0x3F9F] =	sst lr;
	_ =	strace $0xD0000000  }
0x3: {  	_ = 	snop  }
0x4: {  	_ = 	snop  }
0x5: {  	_ = 	snop  }
0x6: {  	_ = 	snop  }
0x7: {  	_ = 	snop  }
__scs_overlays_trampoline_lowered:
0x8: {  	[smem:$0x3FAE] =	sst s0  }
0x9: {  	[smem:$0x3FAF] =	sst s1  }
0xa: {  	[smem:$0x3FB0] =	sst s2  }
0xb: {  	[smem:$0x3FB1] =	sst s3  }
0xc: {  	[smem:$0x3FB2] =	sst s4  }
0xd: {  	[smem:$0x3FB3] =	sst s5  }
0xe: {  	[smem:$0x3FB4] =	sst s6  }
0xf: {  	[smem:$0x3FB5] =	sst s7  }
0x10: {  	[smem:$0x3FB6] =	sst s8  }
0x11: {  	[smem:$0x3FB7] =	sst s9;
	s0 =	simm.s32 @!p0 $0x0  }
0x12: {  	s1 =	sld [smem:$0x3F9D];
	s0 =	simm.s32 @p0 $0x1  }
0x13: {  	[smem:$0x3FB8] =	sst s0;
	s0 =	simm.s32 @!p1 $0x0  }
0x14: {  	s2 =	sld [smem:$0x3F9C];
	s0 =	simm.s32 @p1 $0x1  }
0x15: {  	[smem:$0x3FB9] =	sst s0;
	s0 =	simm.s32 @!p2 $0x0  }
0x16: {  	s3 =	sld [smem:$0x3FDB];
	s0 =	simm.s32 @p2 $0x1  }
0x17: {  	s4 =	simm.s32 $0x1BF5;
	[smem:$0x3FBB] =	sst s0  }
0x18: {  	s0 =	sld [smem:$0x3F9E];
	_ =	swait.ge [sflag:s4], $0x0  }
0x19: {  	s7 =	sld [smem:$0x3F9F]  }
0x1a: {  	s8 =	sadd.s32 $0xFFFFE003, lr  }
0x1b: {  	s9 =	sadd.s32 $0xFFFFFEF7, lr;
	s5 =	simm.s32 $0xFFFFFFFF;
	p2 =	slt.u32 s8, $0xFFFFF086  }
0x1c: {  	p1 =	slt.u32 s9, $0xF7A;
	s5 =	simm.s32 @!p2 $0x0  }
0x1d: {  	s5 =	simm.s32 @p1 $0x1;
	p0 =	seq.s32 s7, s2  }
0x1e: {  	s7 =	smul.u32 @!p0 $0xF7A, s2;
	p2 =	seq.s32 @!p0 s5, $0x0  }
0x1f: {  	s9 =	smul.u32 $0xF7A, s1;
	s8 =	simm.s32 @!p0 $0x1BF5;
	p2 =	por !p2, p0  }
0x20: {  	[sflag:s8] =	ssyncset.s32 @!p0 $0xFFFFF086;
	s6 =	sadd.s32 @!p0 s3, s7;
	s7 =	simm.s32 @!p0 $0x108  }
0x21: {  	s3 =	sadd.s32 s3, s9;
	s6 =	sadd.s32 @!p0 $0x88, s6;
	s7 =	simm.s32 @p2 $0x1082  }
0x22: {  	[simem:s7], [sflag:s8] =	dma.local @!p0 [hbm:s6], $0xF7A  }
0x23: {  	s9 =	sor.u32 $0xD0000000, s2;
	s6 =	simm.s32 $0x108;
	_ =	swait.ge @!p0 [sflag:s8], $0x0  }
0x24: {  	s3 =	sadd.s32 $0x88, s3;
	s6 =	simm.s32 @!p1 $0x1082;
	[sflag:s4] =	ssyncset.s32 $0xFFFFF086  }
0x25: {  	[simem:s6], [sflag:s4] =	dma.local [hbm:s3], $0xF7A  }
0x26: {  	[smem:$0x3F9F] =	sst s1;
	(tag) =	ssettag s2;
	_ =	strace s9  }
0x27: {  	s1 =	sld [smem:$0x3FAF]  }
0x28: {  	s2 =	sld [smem:$0x3FB0]  }
0x29: {  	s4 =	sld [smem:$0x3FB2]  }
0x2a: {  	p0 =	seq.s32 s5, $0x0;
	s5 =	sld [smem:$0x3FB3]  }
0x2b: {  	s6 =	sld [smem:$0x3FB4]  }
0x2c: {  	s7 =	sld [smem:$0x3FB5]  }
0x2d: {  	s3 =	simm.s32 $0x108;
	s8 =	sld [smem:$0x3FB6]  }
0x2e: {  	s3 =	simm.s32 @!p0 $0x1082;
	s9 =	sld [smem:$0x3FB7]  }
0x2f: {  	lr =	sadd.s32 s0, s3;
	s0 =	sld [smem:$0x3FAE]  }
0x30: {  	s3 =	sld [smem:$0x3FB1]  }
0x31: {  	[smem:$0x3FBA] =	sst s10  }
0x32: {  	s10 =	sld [smem:$0x3FB8];
	_ =	sdelay $0x3  }
0x33: {  	p0 =	seq.s32 s10, $0x1;
	s10 =	sld [smem:$0x3FBA];
	_ =	sdelay $0x3  }
0x34: {  	[smem:$0x3FBA] =	sst s10  }
0x35: {  	s10 =	sld [smem:$0x3FB9];
	_ =	sdelay $0x3  }
0x36: {  	p1 =	seq.s32 s10, $0x1;
	s10 =	sld [smem:$0x3FBA];
	_ =	sdelay $0x3  }
0x37: {  	[smem:$0x3FBA] =	sst s10  }
0x38: {  	s10 =	sld [smem:$0x3FBB]  }
0x39: {  	_ = 	snop;
	(pc) =	sbr.ind lr, $3  }
0x3a: {  	_ = 	snop  }
0x3b: {  	_ = 	snop  }
0x3c: {  	p2 =	seq.s32 s10, $0x1;
	s10 =	sld [smem:$0x3FBA]  }
0x3d: {  	_ =	shalt  }
0x3e: {  	_ =	shalt  }
0x3f: {  	_ =	shalt  }
0x40: {  	_ =	shalt  }
0x41: {  	_ =	shalt  }
0x42: {  	_ =	shalt  }
0x43: {  	_ =	shalt  }
0x44: {  	_ =	shalt  }
0x45: {  	_ =	shalt  }
0x46: {  	_ =	shalt  }
0x47: {  	_ =	shalt  }
0x48: {  	_ =	shalt  }
0x49: {  	_ =	shalt  }
0x4a: {  	_ =	shalt  }
0x4b: {  	_ =	shalt  }
0x4c: {  	_ =	shalt  }
0x4d: {  	_ =	shalt  }
0x4e: {  	_ =	shalt  }
0x4f: {  	_ =	shalt  }
0x50: {  	_ =	shalt  }
0x51: {  	_ =	shalt  }
0x52: {  	_ =	shalt  }
0x53: {  	_ =	shalt  }
0x54: {  	_ =	shalt  }
0x55: {  	_ =	shalt  }
0x56: {  	_ =	shalt  }
0x57: {  	_ =	shalt  }
0x58: {  	_ =	shalt  }
0x59: {  	_ =	shalt  }
0x5a: {  	_ =	shalt  }
0x5b: {  	_ =	shalt  }
0x5c: {  	_ =	shalt  }
0x5d: {  	_ =	shalt  }
0x5e: {  	_ =	shalt  }
0x5f: {  	_ =	shalt  }
0x60: {  	_ =	shalt  }
0x61: {  	_ =	shalt  }
0x62: {  	_ =	shalt  }
0x63: {  	_ =	shalt  }
0x64: {  	_ =	shalt  }
0x65: {  	_ =	shalt  }
0x66: {  	_ =	shalt  }
0x67: {  	_ =	shalt  }
0x68: {  	_ =	shalt  }
0x69: {  	_ =	shalt  }
0x6a: {  	_ =	shalt  }
0x6b: {  	_ =	shalt  }
0x6c: {  	_ =	shalt  }
0x6d: {  	_ =	shalt  }
0x6e: {  	_ =	shalt  }
0x6f: {  	_ =	shalt  }
0x70: {  	_ =	shalt  }
0x71: {  	_ =	shalt  }
0x72: {  	_ =	shalt  }
0x73: {  	_ =	shalt  }
0x74: {  	_ =	shalt  }
0x75: {  	_ =	shalt  }
0x76: {  	_ =	shalt  }
0x77: {  	_ =	shalt  }
0x78: {  	_ =	shalt  }
0x79: {  	_ =	shalt  }
0x7a: {  	_ =	shalt  }
0x7b: {  	_ =	shalt  }
0x7c: {  	_ =	shalt  }
0x7d: {  	_ =	shalt  }
0x7e: {  	_ =	shalt  }
0x7f: {  	_ =	shalt  }
0x80: {  	_ =	shalt  }
0x81: {  	_ =	shalt  }
0x82: {  	_ =	shalt  }
0x83: {  	_ =	shalt  }
0x84: {  	_ =	shalt  }
0x85: {  	_ =	shalt  }
0x86: {  	_ =	shalt  }
0x87: {  	_ =	shalt  }
.Lfunc_end0:
.L_simem_size_0:
called_computation_lowered:
.L_overlay_start_0:
0x88: {  	s2 =	sld [smem:$0x3FD9]  }
0x89: {  	s3 =	sld [smem:$0x3FFE];
	_ =	sdelay $0x1  }
0x8a: {  	s1 =	srdreg.scid  }
0x8b: {  	s0 =	sand.u32 $0x1, s1  }
0x8c: {  	s14 =	sshll.u32 s0, $0xA;
	s2 =	sadd.s32 s3, s2  }
0x8d: {  	s2 =	sadd.s32 s2, s14  }
0x8e: {  	[smem:$0x3FC6] =	sst s2  }
0x8f: {  	_ = 	snop  }
0x90: {  	s2 =	sld [smem:$0x3FD0];
	_ =	sdelay $0x2  }
0x91: {  	s15 =	simm.s32 $0xA;
	s4 =	simm.s32 $0x10  }
0x92: {  	[smem:s4], [sflag:s15] =	dma.local [hbm:s2], $0x1  }
0x93: {  	_ =	swait.eq [sflag:s15], $0x1  }
0x94: {  	[sflag:s15] =	ssyncset.done $0x0  }
0x95: {  	[sflag:s15] =	ssyncadd.s32 $0xFFFFFFFF  }
0x96: {  	s16 =	sld [smem:$0x10];
	(tm) =	ssettm $0x1  }
0x97: {  	s17 =	sld [smem:$0x3FFB];
	_ =	sdelay $0x3  }
0x98: {  	_ =	strace s17  }
0x99: {  	s3 =	sld [smem:$0x3FFC];
	_ =	sdelay $0x3  }
0x9a: {  	_ =	strace s3  }
0x9b: {  	s3 =	sld [smem:$0x3FFD];
	_ =	sdelay $0x3  }
0x9c: {  	_ =	strace s3  }
0x9d: {  	_ =	strace $0x8FFFFFFF  }
0x9e: {  	s18 =	sld [smem:$0x3FDB];
	_ =	sdelay $0x1  }
0x9f: {  	s19 =	simm.s32 $_scs_section_size  }
0xa0: {  	s5 =	simm.s32 $_size__tile_overlayer_lowered;
	s6 =	simm.s32 $_tile_overlayer_lowered  }
0xa1: {  	s22 =	simm.s32 $0x1BFF;
	s21 =	sshll.u32 s6, $0x1;
	s3 =	sadd.s32 s19, s18  }
0xa2: {  	s7 =	simm.s32 $0x0;
	s20 =	sshll.u32 s5, $0x1;
	s5 =	sadd.s32 s21, s3  }
0xa3: {  	[timem:s7], [sflag:s22] =	dma.local [hbm:s5], s20  }
0xa4: {  	_ =	swait.ge [sflag:s22], s20  }
0xa5: {  	s4 =	ssub.s32 $0x0, s20;
	[sflag:s22] =	ssyncset.done $0x0  }
0xa6: {  	[sflag:s22] =	ssyncadd.s32 s4;
	_ =	sdelay $0x1  }
0xa7: {  	s23 =	simm.s32 $0x1B8B  }
0xa8: {  	_ =	swait.ge [sflag:s23], $0x1  }
0xa9: {  	[sflag:s23] =	ssyncset.done $0x0  }
0xaa: {  	s25 =	simm.s32 $0x1B8E;
	s24 =	sld [smem:$0x3FFE];
	[sflag:s23] =	ssyncadd.s32 $0xFFFFFFFF  }
0xab: {  	s26 =	simm.s32 $execute0_lowered;
	[smem:$0x3FD2] =	sst s25  }
0xac: {  	s5 =	sshll.u32 s26, $0x1;
	_ =	strace $0x80000046;
	[dreg:$0x1] =	wrdreg $0xFFFFFFFF  }
0xad: {  	s28 =	simm.s32 $_size_execute0_lowered;
	s3 =	sadd.s32 s3, s5;
	[dreg:$0x0] =	wrdreg $0x0  }
0xae: {  	s5 =	sshll.u32 s28, $0x1;
	[dreg:$0x2] =	wrdreg s3  }
0xaf: {  	[dreg:$0x3] =	wrdreg s5  }
0xb0: {  	[dreg:$0x4] =	wrdreg $0xC0  }
0xb1: {  	_ =	task [dreg:s7], $0x5FFFF  }
0xb2: {  	[dreg:$0x1] =	wrdreg $0xFFFFFFFF  }
0xb3: {  	[dreg:$0x0] =	wrdreg $0x60  }
0xb4: {  	[dreg:$0x2] =	wrdreg s16  }
0xb5: {  	[dreg:$0x3] =	wrdreg s24  }
0xb6: {  	[dreg:$0x4] =	wrdreg $0x9  }
0xb7: {  	_ =	task.clear_ibuf [dreg:s7], $0x5FFFF;
	_ =	strace $0x90000046  }
0xb8: {  	s29 =	simm.s32 $0x9;
	_ =	strace $0x80000048  }
0xb9: {  	_ =	swait.ge [sflag:s29], $0x1  }
0xba: {  	[sflag:s29] =	ssyncadd.s32 $0xFFFFFFFF  }
0xbb: {  	_ =	strace $0x90000048  }
0xbc: {  	_ =	sfence  }
0xbd: {  	s30 =	sld [smem:$0x0];
	_ =	sdelay $0x2  }
0xbe: {  	s31 =	sshll.u32 s1, $0xD;
	s1 =	sshrl.u32 s1, $0x2  }
0xbf: {  	s3 =	sand.u32 $0x4000, s31;
	s1 =	sadd.s32 s1, s30  }
0xc0: {  	s0 =	sor.u32 s3, s0;
	s1 =	sshll.u32 s1, $0x11  }
0xc1: {  	s0 =	sor.u32 s1, s0  }
0xc2: {  	s0 =	sadd.s32 $0x8F2B, s0  }
0xc3: {  	[sflag:s0] =	ssyncadd.remote.s32 $0x1  }
0xc4: {  	_ =	sfence.sel $0xFFFF  }
0xc5: {  	[dreg:$0x0] =	wrdreg $0xFFFFFFFF;
	(pc) =	sbr.abs _section_cstart, $3  }
0xc6: {  	[dreg:$0x1] =	wrdreg $0xFFFFFFFF  }
0xc7: {  	_ =	task.clear_ibuf [dreg:s7], $0x2FFFF;
	_ =	strace $0x9FFFFFFF  }
0xc8: {  	(tm) =	ssettm $0x7FFFFFFF  }
0xc9: {  	_ =	shalt  }
tec
execute0_lowered:
.L_overlay_start_1:
0x0: {  	(tag) =	ssettag $0x1  }
0x1: {  	s1 =	srdreg.scid;
	s0 =	stileid.u32  }
0x2: {  	s12 =	sand.u32 $0x1, s1;
	s28 =	sshll.u32 s0, $0x1  }
0x3: {  	s2 =	rddreg [dreg:$0x0];
	s13 =	sor.u32 s12, s28  }
0x4: {  	s14 =	rddreg [dreg:$0x1];
	s6 =	smul.u32 $0x90, s13  }
0x5: {  	s3 =	simm.s32 $0x0;
	s1 =	rddreg [dreg:$0x2]  }
0x6: {  	[smem:$0x7FF] =	sst s3;
	s4 =	sshrl.u32 s6, $0x3  }
0x7: {  	_ =	strace $0x80000047;
	s5 =	sadd.s32 s14, s4;
	s4 =	simm.s32 $0x2  }
0x8: {  	[tilespmem:s3], [sflag:$0x2] =	stream.linear.gather [hbm4b:s5+s3], $0x48, $0x38;
	[tilespmem:$0x4900] =	vst v63  }
0x9: {  	s15 =	sadd.s32 $0x48, s6;
	_ =	swait.ge [sflag:s4], $0x48  }
0xa: {  	s6 =	sshrl.u32 s15, $0x3;
	[sflag:s4] =	ssyncset.done $0x0  }
0xb: {  	s7 =	simm.s32 $0x80;
	s6 =	sadd.s32 s14, s6;
	[sflag:s4] =	ssyncadd.s32 $0xFFFFFFB8  }
0xc: {  	[tilespmem:s7], [sflag:$0x2] =	stream.linear.gather [hbm4b:s6+s3], $0x48, $0x38;
	[tilespmem:$0x4900] =	vst v63  }
0xd: {  	_ =	swait.ge [sflag:s4], $0x48  }
0xe: {  	[sflag:s4] =	ssyncset.done $0x0  }
0xf: {  	s8 =	simm.s32 $0x48;
	s9 =	simm.s32 $0x100;
	[sflag:s4] =	ssyncadd.s32 $0xFFFFFFB8  }
0x10: {  	[tilespmem:s9], [sflag:$0x1] =	stream.indirect.gather [hbm4b:s2+s8], $0x80, s3, s8, $0xb8;
	[tilespmem:$0x4900] =	vst v63  }
0x11: {  	s10 =	simm.s32 $0x2500;
	s11 =	simm.s32 $0x1  }
0x12: {  	[tilespmem:s10], [sflag:$0x1] =	stream.indirect.gather [hbm4b:s2+s8], $0x80, s7, s8, $0xb8;
	[tilespmem:$0x4900] =	vst v63  }
0x13: {  	_ =	swait.ge [sflag:s11], $0x2400  }
0x14: {  	[sflag:s11] =	ssyncset.done $0x0  }
0x15: {  	s16 =	ssub.s32 $0x2, s12;
	[sflag:s11] =	ssyncadd.s32 $0xFFFFDC00  }
0x16: {  	s13 =	smul.u32 $0x900, s13;
	s29 =	sshrl.u32 s16, $0x1;
	_ =	swait.ge [sflag:s11], $0x2400  }
0x17: {  	s16 =	ssub.s32 s16, s29;
	s14 =	sadd.s32 $0x400, s14;
	[sflag:s11] =	ssyncset.done $0x0  }
0x18: {  	s31 =	smax.u32 s16, $0x1;
	s12 =	sadd.s32 s14, s13;
	[sflag:s11] =	ssyncadd.s32 $0xFFFFDC00  }
0x19: {  	[hbm4b:s12+s3] =	stream.linear.scatter [tilespmem:s9], [sflag:$0x2], $0x2400, $0x38;
	[tilespmem:$0x4900] =	vst v63  }
0x1a: {  	p0 =	sne.s32 s31, $0x1;
	_ =	swait.ge [sflag:s4], $0x2400  }
.Ltmp0:
0x1b: {  	s30 =	sshll.u32 s15, $0x4;
	[sflag:s4] =	ssyncset.done $0x0;
	(pc) =	sbr.rel @!p0 .LBB2_2-.Ltmp0, $4  }
0x1c: {  	s13 =	sadd.s32 s14, s30;
	[sflag:s4] =	ssyncadd.s32 $0xFFFFDC00  }
0x1d: {  	[hbm4b:s13+s3] =	stream.linear.scatter [tilespmem:s10], [sflag:$0x2], $0x2400, $0x38;
	[tilespmem:$0x4900] =	vst v63  }
0x1e: {  	_ =	swait.ge [sflag:s4], $0x2400  }
0x1f: {  	s14 =	sadd.s32 $0xFFFFFFFF, s31;
	[sflag:s4] =	ssyncset.done $0x0  }
.LBB2_1:
0x20: {  	p0 =	sne.s32 s14, $0x1;
	s14 =	sadd.s32 $0xFFFFFFFF, s14;
	[sflag:s4] =	ssyncadd.s32 $0xFFFFDC00  }
0x21: {  	[tilespmem:s3], [sflag:$0x2] =	stream.linear.gather [hbm4b:s5+s3], $0x48, $0x38;
	[tilespmem:$0x4900] =	vst v63  }
0x22: {  	_ =	swait.ge [sflag:s4], $0x48  }
0x23: {  	[sflag:s4] =	ssyncset.done $0x0  }
0x24: {  	[sflag:s4] =	ssyncadd.s32 $0xFFFFFFB8  }
0x25: {  	[tilespmem:s7], [sflag:$0x2] =	stream.linear.gather [hbm4b:s6+s3], $0x48, $0x38;
	[tilespmem:$0x4900] =	vst v63  }
0x26: {  	_ =	swait.ge [sflag:s4], $0x48  }
0x27: {  	[sflag:s4] =	ssyncset.done $0x0  }
0x28: {  	[sflag:s4] =	ssyncadd.s32 $0xFFFFFFB8  }
0x29: {  	[tilespmem:s9], [sflag:$0x1] =	stream.indirect.gather [hbm4b:s2+s8], $0x80, s3, s8, $0xb8;
	[tilespmem:$0x4900] =	vst v63  }
0x2a: {  	_ = 	snop  }
0x2b: {  	[tilespmem:s10], [sflag:$0x1] =	stream.indirect.gather [hbm4b:s2+s8], $0x80, s7, s8, $0xb8;
	[tilespmem:$0x4900] =	vst v63  }
0x2c: {  	_ =	swait.ge [sflag:s11], $0x2400  }
0x2d: {  	[sflag:s11] =	ssyncset.done $0x0  }
0x2e: {  	[sflag:s11] =	ssyncadd.s32 $0xFFFFDC00  }
0x2f: {  	_ =	swait.ge [sflag:s11], $0x2400  }
0x30: {  	[sflag:s11] =	ssyncset.done $0x0  }
0x31: {  	[sflag:s11] =	ssyncadd.s32 $0xFFFFDC00  }
0x32: {  	[hbm4b:s12+s3] =	stream.linear.scatter [tilespmem:s9], [sflag:$0x2], $0x2400, $0x38;
	[tilespmem:$0x4900] =	vst v63  }
0x33: {  	_ =	swait.ge [sflag:s4], $0x2400  }
.Ltmp1:
0x34: {  	[sflag:s4] =	ssyncset.done $0x0;
	(pc) =	sbr.rel @p0 .LBB2_1-.Ltmp1, $4  }
0x35: {  	[sflag:s4] =	ssyncadd.s32 $0xFFFFDC00  }
0x36: {  	[hbm4b:s13+s3] =	stream.linear.scatter [tilespmem:s10], [sflag:$0x2], $0x2400, $0x38;
	[tilespmem:$0x4900] =	vst v63  }
0x37: {  	_ =	swait.ge [sflag:s4], $0x2400  }
0x38: {  	[sflag:s4] =	ssyncset.done $0x0  }
.LBB2_2:
0x39: {  	[sflag:s4] =	ssyncadd.s32 $0xFFFFDC00  }
0x3a: {  	_ =	sfence.sel $0x180000  }
0x3b: {  	[bflag:$0x0] =	sbarrier.arrive $0xFFFF  }
0x3c: {  	p0 =	sne.s32 s0, $0x0;
	_ =	strace $0x90000047  }
0x3d: {  	s0 =	sadd.s32 @!p0 $0x100000, s1;
	[bflag:$0x2] =	sbarrier.arrive $0xFFFF  }
0x3e: {  	[sflag:s0] =	ssyncadd.tile.s32 @!p0 $0x1;
	_ =	shalt  }
.Lfunc_end2:
_tile_overlayer_lowered:
.L_overlay_start_2:
0x3f: {  	(tag) =	ssettag $0x2  }
0x40: {  	s0 =	rddreg [dreg:$0x0];
	s2 =	stileid.u32  }
0x41: {  	s1 =	rddreg [dreg:$0x1];
	p0 =	sne.s32 s2, $0x0  }
0x42: {  	s3 =	rddreg [dreg:$0x2];
	[bflag:$0x3] =	sbarrier.arrive $0xFFFF;
	s2 =	simm.s32 @!p0 $0x1C02  }
0x43: {  	[timem:s3], [sflag:s2] =	dma.local @!p0 [hbm:s0], s1  }
0x44: {  	s0 =	simm.s32 @!p0 $0x2  }
0x45: {  	_ =	swait.ge @!p0 [sflag:s0], s1  }
0x46: {  	s1 =	ssub.s32 @!p0 $0x0, s1;
	[sflag:s0] =	ssyncset.done @!p0 $0x0  }
0x47: {  	[sflag:s0] =	ssyncadd.s32 @!p0 s1  }
0x48: {  	[bflag:$0x3] =	sbarrier.arrive $0xFFFF  }
0x49: {  	_ =	shalt  }

</sc_bundles>
